<compile_context>
chip_gen: v7x
topology: tpu7x:2x2x1
jax: 0.10.2.dev20260603
libtpu: 0.0.44.dev20260713+nightly
codegen_flags: <defaults>
</compile_context>

<pallas_src>
import functools

import jax
import jax.numpy as jnp
from jax.experimental import pallas as pl
from jax.experimental.pallas import tpu as pltpu

_NA = 3
_NC = 80
_C = _NC + 5
_CB = 5
_AW = (10.0, 16.0, 33.0)
_AH = (13.0, 30.0, 23.0)


def _yolo_body(stride_ref, x0_ref, x1_ref, x2_ref, o_ref, *, g):
    c0 = pl.program_id(0) * _CB
    stride = stride_ref[0, 0]
    hw = g * g
    for a, x_ref in enumerate((x0_ref, x1_ref, x2_ref)):
        v = x_ref[...]
        s = jax.nn.sigmoid(v)
        rid = c0 + jax.lax.broadcasted_iota(jnp.int32, v.shape, 0)
        lane = jax.lax.broadcasted_iota(jnp.int32, v.shape, 2)
        gx = jax.lax.rem(lane, g).astype(jnp.float32)
        gy = jax.lax.div(lane, g).astype(jnp.float32)
        grid_off = jnp.where(rid == 0, gx, gy)
        anch = jnp.where(rid == 2, _AW[a], _AH[a])
        box01 = (s + grid_off) * stride
        box23 = jnp.exp(v) * anch
        w = jnp.where(rid < 2, box01, jnp.where(rid < 4, box23, s))
        o_ref[:, :, a * hw:(a + 1) * hw] = w


def kernel(x, img_dim):
    B = x.shape[0]
    g = x.shape[2]
    hw = g * g
    stride = (jnp.asarray(img_dim, jnp.float32) / g).reshape(1, 1)
    y = x.reshape(B, _NA * _C, hw).transpose(1, 0, 2)
    nblk = _C // _CB
    bblk = B // 2
    out = pl.pallas_call(
        functools.partial(_yolo_body, g=g),
        grid=(nblk, B // bblk),
        in_specs=[
            pl.BlockSpec(memory_space=pltpu.SMEM),
            pl.BlockSpec((_CB, bblk, hw), lambda i, j: (i, j, 0)),
            pl.BlockSpec((_CB, bblk, hw), lambda i, j: (nblk + i, j, 0)),
            pl.BlockSpec((_CB, bblk, hw), lambda i, j: (2 * nblk + i, j, 0)),
        ],
        out_specs=pl.BlockSpec((_CB, bblk, _NA * hw), lambda i, j: (i, j, 0)),
        out_shape=jax.ShapeDtypeStruct((_C, B, _NA * hw), jnp.float32),
    )(stride, y, y, y)
    return jnp.transpose(out, (1, 2, 0))

# --- scband reference (transcript-rebuilt; emitter-appended) ---
"""Pipeline reference for scband-yololayer-16449724744284 (READ-ONLY COPY).

The authoritative reference and input builder live on the scoring server;
editing this copy changes nothing except your own understanding.
"""

import jax, jax.numpy as jnp
import numpy as np

NUM_ANCHORS = 3
NUM_CLASSES = 80
ANCHORS = np.array([[10.0, 13.0], [16.0, 30.0], [33.0, 23.0]], dtype=np.float32)


def setup_inputs(seed: int = 0) -> dict:
    key = jax.random.key(seed)
    x = jax.random.normal(key, (64, 255, 52, 52), dtype=jnp.float32)
    return {"x": x, "img_dim": 416}


def reference(x, img_dim):
    nA = NUM_ANCHORS
    nC = NUM_CLASSES
    B = x.shape[0]
    g = x.shape[2]
    stride = img_dim / g
    scaled_anchors = jnp.asarray(ANCHORS) / stride
    prediction = x.reshape(B, nA, nC + 5, g, g).transpose(0, 1, 3, 4, 2)
    sx = jax.nn.sigmoid(prediction[..., 0])
    sy = jax.nn.sigmoid(prediction[..., 1])
    w = prediction[..., 2]
    h = prediction[..., 3]
    pred_conf = jax.nn.sigmoid(prediction[..., 4])
    pred_cls = jax.nn.sigmoid(prediction[..., 5:])
    grid_x = jnp.arange(g, dtype=jnp.float32).reshape(1, 1, 1, g)
    grid_y = jnp.arange(g, dtype=jnp.float32).reshape(1, 1, g, 1)
    anchor_w = scaled_anchors[:, 0].reshape(1, nA, 1, 1)
    anchor_h = scaled_anchors[:, 1].reshape(1, nA, 1, 1)
    # pred_boxes built from .data (detached) in the torch original
    bx = jax.lax.stop_gradient(sx) + grid_x
    by = jax.lax.stop_gradient(sy) + grid_y
    bw = jnp.exp(jax.lax.stop_gradient(w)) * anchor_w
    bh = jnp.exp(jax.lax.stop_gradient(h)) * anchor_h
    pred_boxes = jnp.stack([bx, by, bw, bh], axis=-1)
    output = jnp.concatenate(
        [
            pred_boxes.reshape(B, -1, 4) * stride,
            pred_conf.reshape(B, -1, 1),
            pred_cls.reshape(B, -1, nC),
        ],
        axis=-1,
    )
    return output

if __name__ == "__main__":
    import jax
    _d = setup_inputs()
    print(jax.jit(kernel)(*tuple(_d.values())))

</pallas_src>

<mosaic_0001>
module attributes {stable_mosaic.version = 14 : i64} {
  func.func @_yolo_body(%arg0: i32, %arg1: i32, %arg2: memref<1x1xf32, #tpu.memory_space<smem>>, %arg3: memref<5x32x2704xf32, #tpu.memory_space<vmem>>, %arg4: memref<5x32x2704xf32, #tpu.memory_space<vmem>>, %arg5: memref<5x32x2704xf32, #tpu.memory_space<vmem>>, %arg6: memref<5x32x8112xf32, #tpu.memory_space<vmem>>) attributes {dimension_semantics = [#tpu.dimension_semantics<arbitrary>, #tpu.dimension_semantics<arbitrary>], iteration_bounds = array<i64: 17, 2>, scalar_prefetch = 0 : i64, scratch_operands = 0 : i64, tpu.core_type = #tpu.core_type<tc>, window_params = [{transform_indices = @transform_0, window_bounds = array<i64: 1, 1>}, {transform_indices = @transform_1, window_bounds = array<i64: 5, 32, 2704>}, {transform_indices = @transform_2, window_bounds = array<i64: 5, 32, 2704>}, {transform_indices = @transform_3, window_bounds = array<i64: 5, 32, 2704>}, {transform_indices = @transform_4, window_bounds = array<i64: 5, 32, 8112>}]} {
    %mul3A = arith.constant 5 : i32
    %mul3A_0 = arith.muli %arg0, %mul3A : i32
    %get3A = arith.constant 0 : index
    %get3A_1 = arith.constant 0 : index
    %get3A_2 = memref.load %arg2[%get3A, %get3A_1] : memref<1x1xf32, #tpu.memory_space<smem>>
    %get3A_3 = arith.constant 0 : index
    %get3A_4 = arith.constant 0 : index
    %get3A_5 = arith.constant 0 : index
    %get3A_6 = vector.load %arg3[%get3A_3, %get3A_4, %get3A_5] : memref<5x32x2704xf32, #tpu.memory_space<vmem>>, vector<5x32x2704xf32>
    %logistic3A = arith.negf %get3A_6 : vector<5x32x2704xf32>
    %logistic3A_7 = math.exp %logistic3A : vector<5x32x2704xf32>
    %logistic3A_8 = arith.constant 1.000000e+00 : f32
    %logistic3A_9 = vector.broadcast %logistic3A_8 : f32 to vector<5x32x2704xf32>
    %logistic3A_10 = arith.addf %logistic3A_9, %logistic3A_7 : vector<5x32x2704xf32>
    %logistic3A_11 = arith.divf %logistic3A_9, %logistic3A_10 : vector<5x32x2704xf32>
    %iota3A = tpu.iota {dimensions = array<i32: 0>} : vector<5x32x2704xi32>
    %add3A = vector.broadcast %mul3A_0 : i32 to vector<5x32x2704xi32>
    %add3A_12 = arith.addi %add3A, %iota3A : vector<5x32x2704xi32>
    %iota3A_13 = tpu.iota {dimensions = array<i32: 2>} : vector<5x32x2704xi32>
    %rem3A = arith.constant 52 : i32
    %rem3A_14 = vector.broadcast %rem3A : i32 to vector<5x32x2704xi32>
    %rem3A_15 = arith.remsi %iota3A_13, %rem3A_14 : vector<5x32x2704xi32>
    %convert_element_type3A = arith.sitofp %rem3A_15 : vector<5x32x2704xi32> to vector<5x32x2704xf32>
    %div3A = arith.constant 52 : i32
    %div3A_16 = vector.broadcast %div3A : i32 to vector<5x32x2704xi32>
    %div3A_17 = arith.divsi %iota3A_13, %div3A_16 : vector<5x32x2704xi32>
    %convert_element_type3A_18 = arith.sitofp %div3A_17 : vector<5x32x2704xi32> to vector<5x32x2704xf32>
    %eq3A = arith.constant 0 : i32
    %eq3A_19 = vector.broadcast %eq3A : i32 to vector<5x32x2704xi32>
    %eq3A_20 = arith.cmpi eq, %add3A_12, %eq3A_19 : vector<5x32x2704xi32>
    %select_n3A = arith.select %eq3A_20, %convert_element_type3A, %convert_element_type3A_18 : vector<5x32x2704xi1>, vector<5x32x2704xf32>
    %eq3A_21 = arith.constant 2 : i32
    %eq3A_22 = vector.broadcast %eq3A_21 : i32 to vector<5x32x2704xi32>
    %eq3A_23 = arith.cmpi eq, %add3A_12, %eq3A_22 : vector<5x32x2704xi32>
    %jit3A = arith.constant 1.000000e+01 : f32
    %jit3A_24 = arith.constant 1.300000e+01 : f32
    %broadcast_in_dim3A = vector.broadcast %jit3A : f32 to vector<5x32x2704xf32>
    %broadcast_in_dim3A_25 = vector.broadcast %jit3A_24 : f32 to vector<5x32x2704xf32>
    %select_n3A_26 = arith.select %eq3A_23, %broadcast_in_dim3A, %broadcast_in_dim3A_25 : vector<5x32x2704xi1>, vector<5x32x2704xf32>
    %add3A_27 = arith.addf %logistic3A_11, %select_n3A : vector<5x32x2704xf32>
    %mul3A_28 = vector.broadcast %get3A_2 : f32 to vector<5x32x2704xf32>
    %mul3A_29 = arith.mulf %add3A_27, %mul3A_28 : vector<5x32x2704xf32>
    %exp3A = math.exp %get3A_6 : vector<5x32x2704xf32>
    %mul3A_30 = arith.mulf %exp3A, %select_n3A_26 : vector<5x32x2704xf32>
    %lt3A = arith.constant 2 : i32
    %lt3A_31 = vector.broadcast %lt3A : i32 to vector<5x32x2704xi32>
    %lt3A_32 = arith.cmpi slt, %add3A_12, %lt3A_31 : vector<5x32x2704xi32>
    %lt3A_33 = arith.constant 4 : i32
    %lt3A_34 = vector.broadcast %lt3A_33 : i32 to vector<5x32x2704xi32>
    %lt3A_35 = arith.cmpi slt, %add3A_12, %lt3A_34 : vector<5x32x2704xi32>
    %select_n3A_36 = arith.select %lt3A_35, %mul3A_30, %logistic3A_11 : vector<5x32x2704xi1>, vector<5x32x2704xf32>
    %select_n3A_37 = arith.select %lt3A_32, %mul3A_29, %select_n3A_36 : vector<5x32x2704xi1>, vector<5x32x2704xf32>
    %swap3A = arith.constant 0 : index
    %swap3A_38 = arith.constant 0 : index
    %swap3A_39 = arith.constant 0 : index
    %swap3A_40 = vector.load %arg6[%swap3A, %swap3A_38, %swap3A_39] : memref<5x32x8112xf32, #tpu.memory_space<vmem>>, vector<5x32x2704xf32>
    tpu.vector_store %arg6[%swap3A, %swap3A_38, %swap3A_39], %select_n3A_37 {strides = array<i32>} : memref<5x32x8112xf32, #tpu.memory_space<vmem>>, vector<5x32x2704xf32>,
    %get3A_41 = arith.constant 0 : index
    %get3A_42 = arith.constant 0 : index
    %get3A_43 = arith.constant 0 : index
    %get3A_44 = vector.load %arg4[%get3A_41, %get3A_42, %get3A_43] : memref<5x32x2704xf32, #tpu.memory_space<vmem>>, vector<5x32x2704xf32>
    %logistic3A_45 = arith.negf %get3A_44 : vector<5x32x2704xf32>
    %logistic3A_46 = math.exp %logistic3A_45 : vector<5x32x2704xf32>
    %logistic3A_47 = arith.constant 1.000000e+00 : f32
    %logistic3A_48 = vector.broadcast %logistic3A_47 : f32 to vector<5x32x2704xf32>
    %logistic3A_49 = arith.addf %logistic3A_48, %logistic3A_46 : vector<5x32x2704xf32>
    %logistic3A_50 = arith.divf %logistic3A_48, %logistic3A_49 : vector<5x32x2704xf32>
    %iota3A_51 = tpu.iota {dimensions = array<i32: 0>} : vector<5x32x2704xi32>
    %add3A_52 = vector.broadcast %mul3A_0 : i32 to vector<5x32x2704xi32>
    %add3A_53 = arith.addi %add3A_52, %iota3A_51 : vector<5x32x2704xi32>
    %iota3A_54 = tpu.iota {dimensions = array<i32: 2>} : vector<5x32x2704xi32>
    %rem3A_55 = arith.constant 52 : i32
    %rem3A_56 = vector.broadcast %rem3A_55 : i32 to vector<5x32x2704xi32>
    %rem3A_57 = arith.remsi %iota3A_54, %rem3A_56 : vector<5x32x2704xi32>
    %convert_element_type3A_58 = arith.sitofp %rem3A_57 : vector<5x32x2704xi32> to vector<5x32x2704xf32>
    %div3A_59 = arith.constant 52 : i32
    %div3A_60 = vector.broadcast %div3A_59 : i32 to vector<5x32x2704xi32>
    %div3A_61 = arith.divsi %iota3A_54, %div3A_60 : vector<5x32x2704xi32>
    %convert_element_type3A_62 = arith.sitofp %div3A_61 : vector<5x32x2704xi32> to vector<5x32x2704xf32>
    %eq3A_63 = arith.constant 0 : i32
    %eq3A_64 = vector.broadcast %eq3A_63 : i32 to vector<5x32x2704xi32>
    %eq3A_65 = arith.cmpi eq, %add3A_53, %eq3A_64 : vector<5x32x2704xi32>
    %select_n3A_66 = arith.select %eq3A_65, %convert_element_type3A_58, %convert_element_type3A_62 : vector<5x32x2704xi1>, vector<5x32x2704xf32>
    %eq3A_67 = arith.constant 2 : i32
    %eq3A_68 = vector.broadcast %eq3A_67 : i32 to vector<5x32x2704xi32>
    %eq3A_69 = arith.cmpi eq, %add3A_53, %eq3A_68 : vector<5x32x2704xi32>
    %jit3A_70 = arith.constant 1.600000e+01 : f32
    %jit3A_71 = arith.constant 3.000000e+01 : f32
    %broadcast_in_dim3A_72 = vector.broadcast %jit3A_70 : f32 to vector<5x32x2704xf32>
    %broadcast_in_dim3A_73 = vector.broadcast %jit3A_71 : f32 to vector<5x32x2704xf32>
    %select_n3A_74 = arith.select %eq3A_69, %broadcast_in_dim3A_72, %broadcast_in_dim3A_73 : vector<5x32x2704xi1>, vector<5x32x2704xf32>
    %add3A_75 = arith.addf %logistic3A_50, %select_n3A_66 : vector<5x32x2704xf32>
    %mul3A_76 = vector.broadcast %get3A_2 : f32 to vector<5x32x2704xf32>
    %mul3A_77 = arith.mulf %add3A_75, %mul3A_76 : vector<5x32x2704xf32>
    %exp3A_78 = math.exp %get3A_44 : vector<5x32x2704xf32>
    %mul3A_79 = arith.mulf %exp3A_78, %select_n3A_74 : vector<5x32x2704xf32>
    %lt3A_80 = arith.constant 2 : i32
    %lt3A_81 = vector.broadcast %lt3A_80 : i32 to vector<5x32x2704xi32>
    %lt3A_82 = arith.cmpi slt, %add3A_53, %lt3A_81 : vector<5x32x2704xi32>
    %lt3A_83 = arith.constant 4 : i32
    %lt3A_84 = vector.broadcast %lt3A_83 : i32 to vector<5x32x2704xi32>
    %lt3A_85 = arith.cmpi slt, %add3A_53, %lt3A_84 : vector<5x32x2704xi32>
    %select_n3A_86 = arith.select %lt3A_85, %mul3A_79, %logistic3A_50 : vector<5x32x2704xi1>, vector<5x32x2704xf32>
    %select_n3A_87 = arith.select %lt3A_82, %mul3A_77, %select_n3A_86 : vector<5x32x2704xi1>, vector<5x32x2704xf32>
    %swap3A_88 = arith.constant 0 : index
    %swap3A_89 = arith.constant 0 : index
    %swap3A_90 = arith.constant 2704 : index
    %swap3A_91 = vector.load %arg6[%swap3A_88, %swap3A_89, %swap3A_90] : memref<5x32x8112xf32, #tpu.memory_space<vmem>>, vector<5x32x2704xf32>
    tpu.vector_store %arg6[%swap3A_88, %swap3A_89, %swap3A_90], %select_n3A_87 {strides = array<i32>} : memref<5x32x8112xf32, #tpu.memory_space<vmem>>, vector<5x32x2704xf32>,
    %get3A_92 = arith.constant 0 : index
    %get3A_93 = arith.constant 0 : index
    %get3A_94 = arith.constant 0 : index
    %get3A_95 = vector.load %arg5[%get3A_92, %get3A_93, %get3A_94] : memref<5x32x2704xf32, #tpu.memory_space<vmem>>, vector<5x32x2704xf32>
    %logistic3A_96 = arith.negf %get3A_95 : vector<5x32x2704xf32>
    %logistic3A_97 = math.exp %logistic3A_96 : vector<5x32x2704xf32>
    %logistic3A_98 = arith.constant 1.000000e+00 : f32
    %logistic3A_99 = vector.broadcast %logistic3A_98 : f32 to vector<5x32x2704xf32>
    %logistic3A_100 = arith.addf %logistic3A_99, %logistic3A_97 : vector<5x32x2704xf32>
    %logistic3A_101 = arith.divf %logistic3A_99, %logistic3A_100 : vector<5x32x2704xf32>
    %iota3A_102 = tpu.iota {dimensions = array<i32: 0>} : vector<5x32x2704xi32>
    %add3A_103 = vector.broadcast %mul3A_0 : i32 to vector<5x32x2704xi32>
    %add3A_104 = arith.addi %add3A_103, %iota3A_102 : vector<5x32x2704xi32>
    %iota3A_105 = tpu.iota {dimensions = array<i32: 2>} : vector<5x32x2704xi32>
    %rem3A_106 = arith.constant 52 : i32
    %rem3A_107 = vector.broadcast %rem3A_106 : i32 to vector<5x32x2704xi32>
    %rem3A_108 = arith.remsi %iota3A_105, %rem3A_107 : vector<5x32x2704xi32>
    %convert_element_type3A_109 = arith.sitofp %rem3A_108 : vector<5x32x2704xi32> to vector<5x32x2704xf32>
    %div3A_110 = arith.constant 52 : i32
    %div3A_111 = vector.broadcast %div3A_110 : i32 to vector<5x32x2704xi32>
    %div3A_112 = arith.divsi %iota3A_105, %div3A_111 : vector<5x32x2704xi32>
    %convert_element_type3A_113 = arith.sitofp %div3A_112 : vector<5x32x2704xi32> to vector<5x32x2704xf32>
    %eq3A_114 = arith.constant 0 : i32
    %eq3A_115 = vector.broadcast %eq3A_114 : i32 to vector<5x32x2704xi32>
    %eq3A_116 = arith.cmpi eq, %add3A_104, %eq3A_115 : vector<5x32x2704xi32>
    %select_n3A_117 = arith.select %eq3A_116, %convert_element_type3A_109, %convert_element_type3A_113 : vector<5x32x2704xi1>, vector<5x32x2704xf32>
    %eq3A_118 = arith.constant 2 : i32
    %eq3A_119 = vector.broadcast %eq3A_118 : i32 to vector<5x32x2704xi32>
    %eq3A_120 = arith.cmpi eq, %add3A_104, %eq3A_119 : vector<5x32x2704xi32>
    %jit3A_121 = arith.constant 3.300000e+01 : f32
    %jit3A_122 = arith.constant 2.300000e+01 : f32
    %broadcast_in_dim3A_123 = vector.broadcast %jit3A_121 : f32 to vector<5x32x2704xf32>
    %broadcast_in_dim3A_124 = vector.broadcast %jit3A_122 : f32 to vector<5x32x2704xf32>
    %select_n3A_125 = arith.select %eq3A_120, %broadcast_in_dim3A_123, %broadcast_in_dim3A_124 : vector<5x32x2704xi1>, vector<5x32x2704xf32>
    %add3A_126 = arith.addf %logistic3A_101, %select_n3A_117 : vector<5x32x2704xf32>
    %mul3A_127 = vector.broadcast %get3A_2 : f32 to vector<5x32x2704xf32>
    %mul3A_128 = arith.mulf %add3A_126, %mul3A_127 : vector<5x32x2704xf32>
    %exp3A_129 = math.exp %get3A_95 : vector<5x32x2704xf32>
    %mul3A_130 = arith.mulf %exp3A_129, %select_n3A_125 : vector<5x32x2704xf32>
    %lt3A_131 = arith.constant 2 : i32
    %lt3A_132 = vector.broadcast %lt3A_131 : i32 to vector<5x32x2704xi32>
    %lt3A_133 = arith.cmpi slt, %add3A_104, %lt3A_132 : vector<5x32x2704xi32>
    %lt3A_134 = arith.constant 4 : i32
    %lt3A_135 = vector.broadcast %lt3A_134 : i32 to vector<5x32x2704xi32>
    %lt3A_136 = arith.cmpi slt, %add3A_104, %lt3A_135 : vector<5x32x2704xi32>
    %select_n3A_137 = arith.select %lt3A_136, %mul3A_130, %logistic3A_101 : vector<5x32x2704xi1>, vector<5x32x2704xf32>
    %select_n3A_138 = arith.select %lt3A_133, %mul3A_128, %select_n3A_137 : vector<5x32x2704xi1>, vector<5x32x2704xf32>
    %swap3A_139 = arith.constant 0 : index
    %swap3A_140 = arith.constant 0 : index
    %swap3A_141 = arith.constant 5408 : index
    %swap3A_142 = vector.load %arg6[%swap3A_139, %swap3A_140, %swap3A_141] : memref<5x32x8112xf32, #tpu.memory_space<vmem>>, vector<5x32x2704xf32>
    tpu.vector_store %arg6[%swap3A_139, %swap3A_140, %swap3A_141], %select_n3A_138 {strides = array<i32>} : memref<5x32x8112xf32, #tpu.memory_space<vmem>>, vector<5x32x2704xf32>,
    return
  }
  func.func @transform_0(%arg0: i32, %arg1: i32) -> (i32, i32) {
    %c0_i32 = arith.constant 0 : i32
    %c0_i32_0 = arith.constant 0 : i32
    %c0_i32_1 = arith.constant 0 : i32
    return %c0_i32, %c0_i32_0 : i32, i32
  }
  func.func @transform_1(%arg0: i32, %arg1: i32) -> (i32, i32, i32) {
    %c0_i32 = arith.constant 0 : i32
    %c0_i32_0 = arith.constant 0 : i32
    return %arg0, %arg1, %c0_i32 : i32, i32, i32
  }
  func.func @transform_2(%arg0: i32, %arg1: i32) -> (i32, i32, i32) {
    %add3A = arith.constant 17 : i32
    %add3A_0 = arith.addi %add3A, %arg0 : i32
    %c0_i32 = arith.constant 0 : i32
    %c0_i32_1 = arith.constant 0 : i32
    return %add3A_0, %arg1, %c0_i32 : i32, i32, i32
  }
  func.func @transform_3(%arg0: i32, %arg1: i32) -> (i32, i32, i32) {
    %add3A = arith.constant 34 : i32
    %add3A_0 = arith.addi %add3A, %arg0 : i32
    %c0_i32 = arith.constant 0 : i32
    %c0_i32_1 = arith.constant 0 : i32
    return %add3A_0, %arg1, %c0_i32 : i32, i32, i32
  }
  func.func @transform_4(%arg0: i32, %arg1: i32) -> (i32, i32, i32) {
    %c0_i32 = arith.constant 0 : i32
    %c0_i32_0 = arith.constant 0 : i32
    return %arg0, %arg1, %c0_i32 : i32, i32, i32
  }
}

</mosaic_0001>

<sc_bundles>
// kernel: sparse-core-data-format-call.cloned.1.call-start
scs
called_computation_lowered:
.L_overlay_start_0:
0x0: {  	s2 =	sld [smem:$0x3FD9]  }
0x1: {  	s3 =	sld [smem:$0x3FFE];
	_ =	sdelay $0x1  }
0x2: {  	s1 =	srdreg.scid  }
0x3: {  	s0 =	sand.u32 $0x1, s1  }
0x4: {  	s18 =	sshll.u32 s0, $0xA;
	s2 =	sadd.s32 s3, s2  }
0x5: {  	s2 =	sadd.s32 s2, s18  }
0x6: {  	[smem:$0x3FC6] =	sst s2  }
0x7: {  	_ = 	snop  }
0x8: {  	s2 =	sld [smem:$0x3FC9];
	(tm) =	ssettm $0x1  }
0x9: {  	s19 =	sld [smem:$0x3FFB];
	_ =	sdelay $0x3  }
0xa: {  	_ =	strace s19  }
0xb: {  	s3 =	sld [smem:$0x3FFC];
	_ =	sdelay $0x3  }
0xc: {  	_ =	strace s3  }
0xd: {  	s3 =	sld [smem:$0x3FFD];
	_ =	sdelay $0x3  }
0xe: {  	_ =	strace s3  }
0xf: {  	_ =	strace $0x8FFFFFFF  }
0x10: {  	s20 =	sld [smem:$0x3FDB];
	_ =	sdelay $0x1  }
0x11: {  	s4 =	simm.s32 $_scs_section_size  }
0x12: {  	s5 =	simm.s32 $_size__tile_overlayer_lowered;
	s6 =	simm.s32 $_tile_overlayer_lowered  }
0x13: {  	s23 =	simm.s32 $0x1BFF;
	s22 =	sshll.u32 s6, $0x1;
	s3 =	sadd.s32 s4, s20  }
0x14: {  	s7 =	simm.s32 $0x0;
	s21 =	sshll.u32 s5, $0x1;
	s5 =	sadd.s32 s22, s3  }
0x15: {  	[timem:s7], [sflag:s23] =	dma.local [hbm:s5], s21  }
0x16: {  	_ =	swait.ge [sflag:s23], s21  }
0x17: {  	s4 =	ssub.s32 $0x0, s21;
	[sflag:s23] =	ssyncset.done $0x0  }
0x18: {  	[sflag:s23] =	ssyncadd.s32 s4;
	_ =	sdelay $0x1  }
0x19: {  	s24 =	simm.s32 $0x1B8B  }
0x1a: {  	_ =	swait.ge [sflag:s24], $0x1  }
0x1b: {  	[sflag:s24] =	ssyncset.done $0x0  }
0x1c: {  	s26 =	simm.s32 $0x1B8E;
	s25 =	sld [smem:$0x3FFE];
	[sflag:s24] =	ssyncadd.s32 $0xFFFFFFFF  }
0x1d: {  	s27 =	simm.s32 $execute0_lowered;
	[smem:$0x3FD2] =	sst s26  }
0x1e: {  	s5 =	sshll.u32 s27, $0x1;
	_ =	strace $0x80000046;
	[dreg:$0x1] =	wrdreg $0xFFFFFFFF  }
0x1f: {  	s28 =	simm.s32 $_size_execute0_lowered;
	s3 =	sadd.s32 s3, s5;
	[dreg:$0x0] =	wrdreg $0x0  }
0x20: {  	s5 =	sshll.u32 s28, $0x1;
	[dreg:$0x2] =	wrdreg s3  }
0x21: {  	[dreg:$0x3] =	wrdreg s5  }
0x22: {  	[dreg:$0x4] =	wrdreg $0xC0  }
0x23: {  	_ =	task [dreg:s7], $0x5FFFF  }
0x24: {  	[dreg:$0x1] =	wrdreg $0xFFFFFFFF  }
0x25: {  	[dreg:$0x0] =	wrdreg $0x60  }
0x26: {  	[dreg:$0x2] =	wrdreg s2  }
0x27: {  	[dreg:$0x3] =	wrdreg s25  }
0x28: {  	[dreg:$0x4] =	wrdreg $0x9  }
0x29: {  	_ =	task.clear_ibuf [dreg:s7], $0x5FFFF;
	_ =	strace $0x90000046  }
0x2a: {  	s29 =	simm.s32 $0x9;
	_ =	strace $0x80000048  }
0x2b: {  	_ =	swait.ge [sflag:s29], $0x1  }
0x2c: {  	[sflag:s29] =	ssyncadd.s32 $0xFFFFFFFF  }
0x2d: {  	_ =	strace $0x90000048  }
0x2e: {  	_ =	sfence  }
0x2f: {  	s30 =	sld [smem:$0x0];
	_ =	sdelay $0x2  }
0x30: {  	s31 =	sshll.u32 s1, $0xD;
	s1 =	sshrl.u32 s1, $0x2  }
0x31: {  	s3 =	sand.u32 $0x4000, s31;
	s1 =	sadd.s32 s1, s30  }
0x32: {  	s0 =	sor.u32 s3, s0;
	s1 =	sshll.u32 s1, $0x11  }
0x33: {  	s0 =	sor.u32 s1, s0  }
0x34: {  	s0 =	sadd.s32 $0x8F2B, s0  }
0x35: {  	[sflag:s0] =	ssyncadd.remote.s32 $0x1  }
0x36: {  	_ =	sfence.sel $0xFFFF  }
0x37: {  	[dreg:$0x0] =	wrdreg $0xFFFFFFFF;
	(pc) =	sbr.abs _section_cstart, $3  }
0x38: {  	[dreg:$0x1] =	wrdreg $0xFFFFFFFF  }
0x39: {  	_ =	task.clear_ibuf [dreg:s7], $0x2FFFF;
	_ =	strace $0x9FFFFFFF  }
0x3a: {  	(tm) =	ssettm $0x7FFFFFFF  }
0x3b: {  	_ =	shalt  }
tec
execute0_lowered:
.L_overlay_start_1:
0x0: {  	(tag) =	ssettag $0x1  }
0x1: {  	s6 =	rddreg [dreg:$0x0]  }
0x2: {  	s0 =	rddreg [dreg:$0x1];
	s1 =	srdreg.scid  }
0x3: {  	_ =	strace $0x80000047;
	s30 =	stileid.u32;
	s2 =	simm.s32 $0x1  }
0x4: {  	s31 =	simm.s32 $0x2;
	s14 =	simm.s32 $0x0;
	p0 =	por $0x0, $0x0  }
0x5: {  	s16 =	simm.s32 $0x0;
	s15 =	simm.s32 $0x0;
	s7 =	simm.s32 $0x0  }
.Ltmp0:
0x6: {  	s9 =	simm.s32 $0x0;
	s10 =	simm.s32 $0x0;
	(pc) =	sbr.rel .LBB1_1-.Ltmp0, $4  }
0x7: {  	s11 =	simm.s32 $0x0;
	s0 =	sadd.s32 $0x400, s0;
	s29 =	sshll.u32 s1, $0x4  }
0x8: {  	s13 =	simm.s32 $0x0;
	[dreg:$0x3] =	wrdreg s0;
	s0 =	sand.u32 $0x10, s29  }
0x9: {  	s8 =	simm.s32 $0x0;
	[sflag:s2] =	ssyncpa.u1 $0x0;
	s17 =	sor.u32 s30, s0  }
0xa: {  	[sflag:s31] =	ssyncpa.u1 $0x0;
	s12 =	smov.u32 s17;
	[dreg:$0x4] =	wrdreg s17  }
.LBB1_14:
0xb: {  	s0 =	smul.u32 $0x4080, s22;
	s1 =	sshrl.u32 s9, $0x3;
	s2 =	sshll.u32 s10, $0x3  }
0xc: {  	s3 =	sand.u32 $0x7F, s10;
	s4 =	sshll.u32 s9, $0x7;
	p1 =	sgt.s32 s10, $0xA80  }
0xd: {  	p2 =	sgt.s32 s7, $0x7F;
	s26 =	smul.u32 $0x5800, s7;
	s27 =	rddreg [dreg:$0x3]  }
0xe: {  	s1 =	smul.u32 $0x5800, s1;
	s24 =	sand.u32 $0x380, s4;
	s4 =	smov.u32 s10  }
0xf: {  	s31 =	simm.s32 $0x2C000;
	s2 =	sand.u32 $0xFFFFFC00, s2;
	s4 =	simm.s32 @!p1 $0xA80  }
0x10: {  	s0 =	sor.u32 $0x8000, s0;
	s1 =	sadd.s32 s2, s1;
	s2 =	smov.u32 s7  }
0x11: {  	s4 =	sadd.s32 s17, s4;
	s17 =	rddreg [dreg:$0x4];
	s1 =	sor.u32 s24, s1  }
0x12: {  	s2 =	simm.s32 @!p2 $0x7F;
	s6 =	sadd.s32 $0xFFFFF580, s4;
	s3 =	sor.u32 s3, s1  }
0x13: {  	s4 =	ssub.s32 $0xB00, s4;
	s2 =	sadd.s32 s19, s2;
	s5 =	smulhi.u32 $0xBA2E8BA3, s3  }
0x14: {  	p1 =	sgt.s32 s6, $0x7F;
	s1 =	smulhi.u32 $0xBA2E8BA3, s1;
	s6 =	rddreg [dreg:$0x0]  }
0x15: {  	s25 =	sadd.s32 $0xFFFFFF81, s2;
	s4 =	simm.s32 @p1 $0x0;
	s5 =	sshrl.u32 s5, $0xB  }
0x16: {  	s2 =	ssub.s32 $0xFF, s2;
	s1 =	sshrl.u32 s1, $0xB;
	s5 =	smul.u32 $0xB00, s5  }
0x17: {  	p2 =	sgt.s32 s25, $0x7F;
	s4 =	smul.u32 s4, s18;
	s1 =	sand.u32 $0x3F, s1  }
0x18: {  	s2 =	simm.s32 @p2 $0x0;
	s1 =	smul.u32 $0x160, s1;
	s3 =	ssub.s32 s3, s5  }
0x19: {  	s2 =	smul.u32 s2, s4;
	s4 =	sadd.s32 s27, s26;
	s28 =	sand.u32 $0x7, s3  }
0x1a: {  	s1 =	sadd.s32 s1, s4;
	s3 =	sshrl.u32 s3, $0x3;
	s29 =	sshll.u32 s28, $0x12  }
0x1b: {  	s2 =	sand.u32 $0x3FFFFFFF, s2;
	s1 =	sadd.s32 s3, s1;
	s30 =	sor.u32 $0x80, s29  }
0x1c: {  	[hbm4b:s1+s30] =	stream.strided.scatter [tilespmem:s0], [sflag:$0x2], s2, s31, s30, $0x20;
	[tilespmem:$0x10100] =	vst v63  }
.LBB1_15:
0x1d: {  	p1 =	slt.u32 s8, $0x2;
	s1 =	smov.u32 s16  }
0x1e: {  	p2 =	sgt.s32 @!p1 s14, $0x7F;
	s0 =	sshra.s32 @!p1 s14, $0x1F;
	p3 =	sgt.s32 @!p1 s16, $0x3F  }
0x1f: {  	s2 =	sshra.s32 @!p1 s16, $0x1F;
	s3 =	sshra.s32 @!p1 s15, $0x1F;
	p2 =	por !p2, p1  }
0x20: {  	s0 =	sand.u32 @!p1 s0, s14;
	p3 =	por !p3, p1;
	s2 =	sand.u32 @!p1 s2, s16  }
0x21: {  	s1 =	simm.s32 @p3 $0x3F;
	p3 =	sgt.s32 @!p1 s15, $0xA80;
	s14 =	simm.s32 @p2 $0x7F  }
0x22: {  	s1 =	ssub.s32 @!p1 s1, s2;
	p3 =	por !p3, p1;
	s2 =	smov.u32 s15  }
0x23: {  	s3 =	sand.u32 @!p1 s3, s15;
	s0 =	ssub.s32 @!p1 s14, s0;
	s2 =	simm.s32 @p3 $0xA80  }
0x24: {  	s4 =	sadd.s32 @!p1 $0xFFFFFFC1, s1;
	s1 =	ssub.s32 @!p1 $0x40, s1;
	s2 =	ssub.s32 @!p1 s2, s3  }
0x25: {  	s3 =	sadd.s32 @!p1 $0xFFFFFF81, s0;
	p2 =	sgt.s32 @!p1 s4, $0x0;
	s4 =	sadd.s32 @!p1 $0xFFFFF580, s2  }
0x26: {  	s0 =	ssub.s32 @!p1 $0xFF, s0;
	p2 =	por !p2, p1;
	p3 =	sgt.s32 @!p1 s4, $0x7F  }
0x27: {  	s2 =	ssub.s32 @!p1 $0xB00, s2;
	s1 =	simm.s32 @!p2 $0x0;
	p2 =	por !p3, p1  }
0x28: {  	s4 =	smov.u32 s12;
	p3 =	sgt.s32 @!p1 s3, $0x7F;
	s2 =	simm.s32 @!p2 $0x0  }
0x29: {  	p2 =	por !p3, p1;
	s1 =	smul.u32 @!p1 s2, s1;
	s2 =	sadd.s32 $0x80, s11  }
0x2a: {  	s3 =	sadd.s32 $0x20, s12;
	s0 =	simm.s32 @!p2 $0x0;
	p2 =	sgt.s32 s2, $0xFE  }
0x2b: {  	s0 =	smul.u32 @!p1 s0, s1;
	s4 =	smov.u32 @p2 s3  }
0x2c: {  	s1 =	sadd.s32 $0x80, s13;
	s3 =	smov.u32 s13;
	p3 =	sgt.s32 s4, $0x3F  }
0x2d: {  	s8 =	sadd.s32 $0x1, s8;
	p0 =	por !p0, !p0;
	s3 =	smov.u32 @p3 s1  }
0x2e: {  	s16 =	smov.u32 s9;
	s2 =	simm.s32 @p2 $0x0;
	p2 =	sgt.s32 s3, $0xA8F  }
0x2f: {  	s9 =	smov.u32 s12;
	s3 =	simm.s32 @p2 $0x0;
	p2 =	sne.s32 s8, $0x5A  }
.Ltmp1:
0x30: {  	s14 =	smov.u32 s7;
	s15 =	smov.u32 s10;
	(pc) =	sbr.rel @!p2 .LBB1_16-.Ltmp1, $4  }
0x31: {  	s7 =	smov.u32 s11;
	s0 =	sand.u32 @!p1 $0x3FFFFFFF, s0;
	s1 =	simm.s32 @!p1 $0x2  }
0x32: {  	s10 =	smov.u32 s13;
	s11 =	smov.u32 s2;
	_ =	swait.ge @!p1 [sflag:s1], s0  }
0x33: {  	s4 =	smov.u32 @p3 s17;
	s0 =	ssub.s32 @!p1 $0x0, s0;
	[sflag:s1] =	ssyncset.done @!p1 $0x0  }
0x34: {  	s12 =	smov.u32 s4;
	[sflag:s1] =	ssyncadd.s32 @!p1 s0;
	s13 =	smov.u32 s3  }
.LBB1_1:
0x35: {  	p1 =	sgt.u32 s8, $0x57;
	s2 =	smov.u32 s13  }
0x36: {  	s5 =	smov.u32 s12;
	s0 =	sshll.u32 @!p1 s12, $0x8;
	s1 =	sshll.u32 @!p1 s11, $0x3  }
0x37: {  	p2 =	sgt.s32 @!p1 s13, $0xA10;
	s0 =	sand.u32 @!p1 $0x3800, s0;
	s1 =	sand.u32 @!p1 $0x3C00, s1  }
0x38: {  	s3 =	sshra.s32 @!p1 s13, $0x1F;
	p2 =	por !p2, p1;
	s0 =	sadd.s32 @!p1 s0, s1  }
0x39: {  	s2 =	simm.s32 @p2 $0xA10;
	s1 =	sand.u32 @!p1 s3, s13;
	p2 =	sgt.s32 @!p1 s12, $0x3F  }
0x3a: {  	s3 =	sshll.u32 @!p1 s12, $0x7;
	s1 =	ssub.s32 @!p1 s2, s1;
	p2 =	por !p2, p1  }
0x3b: {  	s2 =	sand.u32 @!p1 $0x300, s3;
	s4 =	sadd.s32 @!p1 $0xFFFFF5F0, s1;
	s5 =	simm.s32 @p2 $0x3F  }
0x3c: {  	s1 =	ssub.s32 @!p1 $0xA90, s1;
	p2 =	sgt.s32 @!p1 s4, $0x7F;
	s4 =	sshra.s32 @!p1 s12, $0x1F  }
0x3d: {  	s0 =	sor.u32 @!p1 s2, s0;
	p2 =	por !p2, p1;
	s4 =	sand.u32 @!p1 s4, s12  }
0x3e: {  	s1 =	simm.s32 @!p2 $0x0;
	s4 =	ssub.s32 @!p1 s5, s4;
	p2 =	sgt.s32 @!p1 s11, $0x80  }
0x3f: {  	s5 =	smov.u32 s11;
	s2 =	sadd.s32 @!p1 $0xFFFFFFC1, s4;
	p2 =	por !p2, p1  }
0x40: {  	s5 =	simm.s32 @p2 $0x80;
	p2 =	sgt.s32 @!p1 s2, $0x0;
	s2 =	sshra.s32 @!p1 s11, $0x1F  }
0x41: {  	s4 =	ssub.s32 @!p1 $0x40, s4;
	p2 =	por !p2, p1;
	s2 =	sand.u32 @!p1 s2, s11  }
0x42: {  	s3 =	sand.u32 @!p1 $0x80, s3;
	s2 =	ssub.s32 @!p1 s5, s2;
	s4 =	simm.s32 @!p2 $0x0  }
0x43: {  	s0 =	sshrl.u32 @!p1 s0, $0x3;
	s1 =	smul.u32 @!p1 s1, s4;
	s4 =	sadd.s32 @!p1 $0xFFFFFF80, s2  }
0x44: {  	s0 =	sand.u32 @!p1 $0x7E0, s0;
	s5 =	sxor.u32 @!p1 $0xFFFFFFFF, s8;
	p2 =	sgt.s32 @!p1 s4, $0x7F  }
0x45: {  	s5 =	sshll.u32 @!p1 s5, $0xE;
	s2 =	ssub.s32 @!p1 $0x100, s2;
	p2 =	por !p2, p1  }
0x46: {  	s5 =	sand.u32 @!p1 $0x4000, s5;
	s4 =	sand.u32 @!p1 $0x78, s11;
	s2 =	simm.s32 @!p2 $0x0  }
0x47: {  	s3 =	sor.u32 @!p1 s4, s3;
	s1 =	smul.u32 @!p1 s2, s1;
	s2 =	sshll.u32 @!p1 s13, $0xB  }
0x48: {  	s4 =	sand.u32 @!p1 $0x7, s11;
	s3 =	sshrl.u32 @!p1 s3, $0x3;
	s2 =	sadd.s32 @!p1 s6, s2  }
0x49: {  	s1 =	sand.u32 @!p1 $0x3FFFFFFF, s1;
	s2 =	sadd.s32 @!p1 s3, s2;
	s3 =	sshll.u32 @!p1 s4, $0x12  }
0x4a: {  	s0 =	sadd.s32 @!p1 s0, s2;
	s2 =	sor.u32 @!p1 $0x80, s3;
	s3 =	simm.s32 @!p1 $0x4000  }
0x4b: {  	[tilespmem:s5], [sflag:$0x1] =	stream.strided.gather @!p1 [hbm4b:s0+s2], s1, s3, s2, $0x38;
	[tilespmem:$0x10100] =	vst v63  }
0x4c: {  	p1 =	seq.s32 s8, $0x0  }
0x4d: {  	p2 =	seq.s32 @!p1 s8, $0x59  }
0x4e: {  	p1 =	por p1, p2  }
.Ltmp2:
0x4f: {  	_ = 	snop;
	(pc) =	sbr.rel @p1 .LBB1_15-.Ltmp2, $1  }
0x50: {  	_ =	sdelay $0x3  }
0x51: {  	s0 =	ssub.s32 $0x0, s10  }
0x52: {  	s1 =	sshra.s32 s10, $0x1F;
	p1 =	sgt.s32 s10, $0xA10;
	s2 =	smov.u32 s10  }
0x53: {  	s28 =	sshra.s32 s9, $0x1F;
	p2 =	sgt.s32 s7, $0x80;
	s4 =	ssub.s32 $0x0, s7  }
0x54: {  	s5 =	sshra.s32 s7, $0x1F;
	s17 =	sand.u32 s0, s1;
	s2 =	simm.s32 @!p1 $0xA10  }
0x55: {  	p1 =	sgt.s32 s9, $0x3F;
	s1 =	smov.u32 s9;
	s0 =	sadd.s32 s17, s2  }
0x56: {  	s19 =	sand.u32 s4, s5;
	s1 =	simm.s32 @!p1 $0x3F;
	s3 =	sadd.s32 $0xFFFFF5F0, s0  }
0x57: {  	s2 =	sand.u32 s28, s9;
	p1 =	sgt.s32 s3, $0x7F;
	s3 =	smov.u32 s7  }
0x58: {  	s1 =	ssub.s32 s1, s2;
	s0 =	ssub.s32 $0xA90, s0;
	s3 =	simm.s32 @!p2 $0x80  }
0x59: {  	s2 =	sadd.s32 $0xFFFFFFC1, s1;
	s18 =	ssub.s32 $0x40, s1;
	s29 =	sadd.s32 s19, s3  }
0x5a: {  	p2 =	sgt.s32 s2, $0x0;
	s0 =	simm.s32 @p1 $0x0;
	s30 =	sadd.s32 $0xFFFFFF80, s29  }
0x5b: {  	s2 =	sadd.s32 $0x80, s10;
	s1 =	ssub.s32 $0x100, s29;
	p1 =	sgt.s32 s30, $0x7F  }
0x5c: {  	s3 =	sadd.s32 $0x1, s9;
	s1 =	simm.s32 @p1 $0x0;
	p1 =	slt.s32 s2, $0xA90  }
0x5d: {  	s2 =	simm.s32 @!p1 $0xA90;
	p1 =	slt.s32 s3, $0x40  }
0x5e: {  	s18 =	simm.s32 @p2 $0x0;
	s20 =	ssub.s32 s2, s10;
	s3 =	simm.s32 @!p1 $0x40  }
0x5f: {  	s0 =	smul.u32 s0, s18;
	s21 =	ssub.s32 s3, s9;
	p1 =	slt.s32 s20, $0x1  }
0x60: {  	p2 =	slt.s32 @!p1 s21, $0x1  }
0x61: {  	s0 =	smul.u32 s1, s0;
	p2 =	por p1, p2  }
.Ltmp3:
0x62: {  	_ = 	snop;
	(pc) =	sbr.rel @p2 .LBB1_14-.Ltmp3, $4  }
0x63: {  	s31 =	simm.s32 $0x1;
	s0 =	sand.u32 $0x3FFFFFFF, s0  }
0x64: {  	_ =	swait.ge [sflag:s31], s0  }
0x65: {  	s0 =	ssub.s32 $0x0, s0;
	[sflag:s31] =	ssyncset.done $0x0  }
0x66: {  	s22 =	sand.u32 $0x1, s8;
	[sflag:s31] =	ssyncadd.s32 s0  }
0x67: {  	s0 =	sadd.s32 $0x80, s7  }
0x68: {  	p2 =	slt.s32 s0, $0xFF  }
0x69: {  	s0 =	simm.s32 @!p2 $0xFF  }
0x6a: {  	s1 =	simm.s32 $0x1;
	s0 =	ssub.s32 s0, s7  }
0x6b: {  	s1 =	simm.s32 @!p0 $0x0;
	s0 =	sadd.s32 $0xF, s0  }
0x6c: {  	s1 =	smul.u32 $0x10200, s1;
	s2 =	sshrl.u32 s0, $0x8  }
0x6d: {  	s2 =	smul.u32 $0x20400, s2  }
.Ltmp4:
0x6e: {  	_ = 	snop;
	(pc) =	sbr.rel .LBB1_4-.Ltmp4, $4  }
0x6f: {  	s25 =	sshll.u32 @!p1 s22, $0xE;
	s28 =	simm.s32 $0x0;
	s29 =	simm.s32 $0x0  }
0x70: {  	s23 =	sand.u32 $0xFFFFFFF0, s0;
	s24 =	sand.u32 @!p1 $0xFFFFFF00, s0;
	s2 =	sadd.s32 s1, s2  }
0x71: {  	p1 =	slt.s32 s0, $0x100;
	s1 =	sshrl.u32 s1, $0x2;
	s2 =	sshra.s32 s2, $0x2  }
0x72: {  	p2 =	sge.s32 s24, s23;
	s26 =	sor.u32 $0x8000, s1;
	s27 =	sadd.s32 $0x8000, s2  }
.LBB1_13:
0x73: {  	s29 =	sadd.s32 $0x1, s29  }
0x74: {  	p3 =	sne.s32 s29, s20  }
.Ltmp5:
0x75: {  	_ = 	snop;
	(pc) =	sbr.rel @!p3 .LBB1_14-.Ltmp5, $2  }
0x76: {  	_ =	sdelay $0x2  }
0x77: {  	s28 =	sadd.s32 $0x1, s28  }
.LBB1_4:
.Ltmp6:
0x78: {  	(pc) =	sbr.rel .LBB1_5-.Ltmp6, $4  }
0x79: {  	_ = 	snop  }
0x7a: {  	s0 =	sshll.u32 s29, $0x9;
	s1 =	sand.u32 $0x7F, s28  }
0x7b: {  	s6 =	simm.s32 $0x0;
	s0 =	sshra.s32 s0, $0x2;
	s31 =	sadd.s32 s1, s26  }
0x7c: {  	s30 =	sadd.s32 s0, s25;
	s0 =	sadd.s32 s1, s27;
	s1 =	simm.s32 $0x0  }
.LBB1_12:
0x7d: {  	s6 =	sadd.s32 $0x1, s6  }
0x7e: {  	p3 =	sne.s32 s6, s21  }
.Ltmp7:
0x7f: {  	_ = 	snop;
	(pc) =	sbr.rel @!p3 .LBB1_13-.Ltmp7, $2  }
0x80: {  	_ =	sdelay $0x2  }
0x81: {  	s1 =	sadd.s32 $0x1, s1  }
.LBB1_5:
.Ltmp8:
0x82: {  	(pc) =	sbr.rel @p1 .LBB1_9-.Ltmp8, $3  }
0x83: {  	s2 =	sand.u32 $0x7, s1  }
0x84: {  	s2 =	smul.u32 $0x204, s2;
	_ =	sdelay $0x1  }
0x85: {  	s2 =	sshrl.u32 s2, $0x2  }
0x86: {  	s3 =	sshll.u32 s6, $0x7  }
0x87: {  	s4 =	sand.u32 $0x380, s3  }
0x88: {  	s4 =	sadd.s32 s4, s30  }
0x89: {  	v5 =	vld [tilespmem:s4+$0x70]  }
0x8a: {  	v6 =	vld [tilespmem:s4+$0x0]  }
0x8b: {  	v7 =	vld [tilespmem:s4+$0x10]  }
0x8c: {  	v1 =	vld [tilespmem:s4+$0x20]  }
0x8d: {  	s3 =	sadd.s32 s2, s31;
	v0 =	vld [tilespmem:s4+$0x30]  }
0x8e: {  	v2 =	vld [tilespmem:s4+$0x40];
	[tilespmem:s3+$0x78F0 ss:$0x81] =	vst.msk $0xffff, v5  }
0x8f: {  	v3 =	vld [tilespmem:s4+$0x50];
	[tilespmem:s3+$0x0 ss:$0x81] =	vst.msk $0xffff, v6  }
0x90: {  	v4 =	vld [tilespmem:s4+$0x60];
	[tilespmem:s3+$0x810 ss:$0x81] =	vst.msk $0xffff, v7  }
0x91: {  	[tilespmem:s3+$0x1020 ss:$0x81] =	vst.msk $0xffff, v1  }
0x92: {  	[tilespmem:s3+$0x1830 ss:$0x81] =	vst.msk $0xffff, v0  }
0x93: {  	p3 =	sgt.s32 s24, $0x100;
	[tilespmem:s3+$0x2040 ss:$0x81] =	vst.msk $0xffff, v2  }
.Ltmp9:
0x94: {  	[tilespmem:s3+$0x2850 ss:$0x81] =	vst.msk $0xffff, v3;
	(pc) =	sbr.rel @!p3 .LBB1_8-.Ltmp9, $4  }
0x95: {  	[tilespmem:s3+$0x3060 ss:$0x81] =	vst.msk $0xffff, v4  }
0x96: {  	[tilespmem:s3+$0x3870 ss:$0x81] =	vst.msk $0xffff, v5  }
0x97: {  	[tilespmem:s3+$0x4080 ss:$0x81] =	vst.msk $0xffff, v6  }
0x98: {  	s5 =	simm.s32 $0x100;
	[tilespmem:s3+$0x4890 ss:$0x81] =	vst.msk $0xffff, v7  }
.LBB1_7:
0x99: {  	v5 =	vld [tilespmem:s4+$0x70];
	s5 =	sadd.s32 $0x100, s5;
	[tilespmem:s3+$0x50A0 ss:$0x81] =	vst.msk $0xffff, v1  }
0x9a: {  	v6 =	vld [tilespmem:s4+$0x0];
	p3 =	slt.s32 s5, s24;
	[tilespmem:s3+$0x58B0 ss:$0x81] =	vst.msk $0xffff, v0  }
0x9b: {  	v7 =	vld [tilespmem:s4+$0x10];
	[tilespmem:s3+$0x60C0 ss:$0x81] =	vst.msk $0xffff, v2  }
0x9c: {  	v1 =	vld [tilespmem:s4+$0x20];
	[tilespmem:s3+$0x68D0 ss:$0x81] =	vst.msk $0xffff, v3  }
0x9d: {  	v0 =	vld [tilespmem:s4+$0x30];
	[tilespmem:s3+$0x70E0 ss:$0x81] =	vst.msk $0xffff, v4;
	s3 =	sadd.s32 $0x8100, s3  }
0x9e: {  	v2 =	vld [tilespmem:s4+$0x40];
	[tilespmem:s3+$0x78F0 ss:$0x81] =	vst.msk $0xffff, v5  }
0x9f: {  	[tilespmem:s3+$0x0 ss:$0x81] =	vst.msk $0xffff, v6;
	v3 =	vld [tilespmem:s4+$0x50]  }
0xa0: {  	[tilespmem:s3+$0x810 ss:$0x81] =	vst.msk $0xffff, v7;
	v4 =	vld [tilespmem:s4+$0x60]  }
0xa1: {  	[tilespmem:s3+$0x1020 ss:$0x81] =	vst.msk $0xffff, v1  }
0xa2: {  	[tilespmem:s3+$0x1830 ss:$0x81] =	vst.msk $0xffff, v0  }
0xa3: {  	[tilespmem:s3+$0x2040 ss:$0x81] =	vst.msk $0xffff, v2  }
.Ltmp10:
0xa4: {  	[tilespmem:s3+$0x2850 ss:$0x81] =	vst.msk $0xffff, v3;
	(pc) =	sbr.rel @p3 .LBB1_7-.Ltmp10, $4  }
0xa5: {  	[tilespmem:s3+$0x3060 ss:$0x81] =	vst.msk $0xffff, v4  }
0xa6: {  	[tilespmem:s3+$0x3870 ss:$0x81] =	vst.msk $0xffff, v5  }
0xa7: {  	[tilespmem:s3+$0x4080 ss:$0x81] =	vst.msk $0xffff, v6  }
0xa8: {  	[tilespmem:s3+$0x4890 ss:$0x81] =	vst.msk $0xffff, v7  }
.LBB1_8:
0xa9: {  	[tilespmem:s3+$0x50A0 ss:$0x81] =	vst.msk $0xffff, v1  }
0xaa: {  	[tilespmem:s3+$0x58B0 ss:$0x81] =	vst.msk $0xffff, v0  }
0xab: {  	[tilespmem:s3+$0x60C0 ss:$0x81] =	vst.msk $0xffff, v2  }
0xac: {  	[tilespmem:s3+$0x68D0 ss:$0x81] =	vst.msk $0xffff, v3  }
0xad: {  	[tilespmem:s3+$0x70E0 ss:$0x81] =	vst.msk $0xffff, v4  }
.LBB1_9:
.Ltmp11:
0xae: {  	(pc) =	sbr.rel @p2 .LBB1_12-.Ltmp11, $1  }
0xaf: {  	_ =	sdelay $0x3  }
0xb0: {  	s3 =	sand.u32 $0x7, s6  }
0xb1: {  	s3 =	sadd.s32 s29, s3  }
0xb2: {  	s3 =	sshll.u32 s3, $0x9  }
0xb3: {  	s3 =	sshra.s32 s3, $0x2  }
0xb4: {  	s3 =	sadd.s32 s3, s25  }
0xb5: {  	v0 =	vmov s3;
	_ =	sdelay $0x2  }
0xb6: {  	s2 =	sadd.s32 s2, s0;
	s3 =	smov.u32 s24  }
.LBB1_11:
0xb7: {  	s4 =	sand.u32 $0x70, s3;
	s3 =	sadd.s32 $0x10, s3  }
0xb8: {  	v1 =	vld.idx.msk [tilespmem:v0+s4+$0x0 ss:$0x1], $0xffff;
	p3 =	slt.s32 s3, s23  }
.Ltmp12:
0xb9: {  	_ = 	snop;
	(pc) =	sbr.rel @p3 .LBB1_11-.Ltmp12, $2  }
0xba: {  	_ =	sdelay $0x2  }
0xbb: {  	[tilespmem:s2+$0x0 ss:$0x81] =	vst.msk $0xffff, v1;
	s2 =	sadd.s32 $0x810, s2  }
.Ltmp13:
0xbc: {  	_ = 	snop;
	(pc) =	sbr.rel .LBB1_12-.Ltmp13, $1  }
0xbd: {  	_ =	sdelay $0x3  }
.LBB1_16:
0xbe: {  	_ =	sfence.sel $0x180000  }
0xbf: {  	s0 =	simm.s32 $0x1;
	[bflag:$0x0] =	sbarrier.arrive $0xFFFF  }
0xc0: {  	s30 =	simm.s32 $0x2;
	[sflag:s0] =	ssyncpa.u1 $0x1  }
0xc1: {  	[sflag:s30] =	ssyncpa.u1 $0x1  }
0xc2: {  	_ =	strace $0x90000047  }
0xc3: {  	s31 =	stileid.u32;
	[bflag:$0x2] =	sbarrier.arrive $0xFFFF  }
0xc4: {  	p0 =	sne.s32 s31, $0x0;
	s0 =	rddreg [dreg:$0x2]  }
0xc5: {  	s0 =	sadd.s32 @!p0 $0x100000, s0  }
0xc6: {  	[sflag:s0] =	ssyncadd.tile.s32 @!p0 $0x1;
	_ =	shalt  }
.Lfunc_end1:
_tile_overlayer_lowered:
.L_overlay_start_2:
0xc7: {  	(tag) =	ssettag $0x2  }
0xc8: {  	s0 =	rddreg [dreg:$0x0];
	s2 =	stileid.u32  }
0xc9: {  	s1 =	rddreg [dreg:$0x1];
	p0 =	sne.s32 s2, $0x0  }
0xca: {  	s3 =	rddreg [dreg:$0x2];
	[bflag:$0x3] =	sbarrier.arrive $0xFFFF;
	s2 =	simm.s32 @!p0 $0x1C01  }
0xcb: {  	[timem:s3], [sflag:s2] =	dma.local @!p0 [hbm:s0], s1  }
0xcc: {  	s0 =	simm.s32 @!p0 $0x1  }
0xcd: {  	_ =	swait.ge @!p0 [sflag:s0], s1  }
0xce: {  	s1 =	ssub.s32 @!p0 $0x0, s1;
	[sflag:s0] =	ssyncset.done @!p0 $0x0  }
0xcf: {  	[sflag:s0] =	ssyncadd.s32 @!p0 s1  }
0xd0: {  	[bflag:$0x3] =	sbarrier.arrive $0xFFFF  }
0xd1: {  	_ =	shalt  }

</sc_bundles>
